<compile_context>
chip_gen: v7x
topology: tpu7x:2x2x1
jax: 0.10.2.dev20260603
libtpu: 0.0.44.dev20260713+nightly
codegen_flags: <defaults>
</compile_context>

<pallas_src>
import functools

import jax
import jax.numpy as jnp
from jax import lax
from jax.experimental import pallas as pl
from jax.experimental.pallas import tpu as pltpu
from jax.experimental.pallas import tpu_sc as plsc

_VOCAB = 1000000
_DIM = 64
_CTX = 200
_K = 8
_ROWS = _VOCAB // _K
_BLK = 5000
_NSTEPS = _ROWS // _BLK
_XROWS = _K * _DIM
_CTX_A = 104
_CTX_B = _CTX - _CTX_A


def _sc_embed_body(idx_hbm, enc_hbm, x_out, idx_a, idx_b, rows_a, rows_b,
                   xbuf, sem):
    wid = lax.axis_index("s") * 2 + lax.axis_index("c")

    @pl.when(wid == 0)
    def _():
        pltpu.sync_copy(idx_hbm.at[pl.ds(0, _CTX_A)], idx_a)
        pltpu.sync_copy(idx_hbm.at[pl.ds(_CTX_A, _CTX_B)], idx_b)
        cp_a = pltpu.async_copy(enc_hbm.at[idx_a], rows_a, sem)
        cp_b = pltpu.async_copy(enc_hbm.at[idx_b], rows_b, sem)
        cp_a.wait()
        cp_b.wait()

        zero16 = jnp.zeros((16,), jnp.float32)

        def sum_rows(rows_ref, n, accs):
            def body(i, a):
                return tuple(a[c] + rows_ref[i, pl.ds(c * 16, 16)]
                             for c in range(4))
            return lax.fori_loop(0, n, body, accs)

        accs = (zero16, zero16, zero16, zero16)
        accs = sum_rows(rows_a, _CTX_A, accs)
        accs = sum_rows(rows_b, _CTX_B, accs)

        def zbody(i, _):
            xbuf[pl.ds(i * 16, 16)] = zero16
            return 0
        lax.fori_loop(0, (_XROWS * _K) // 16, zbody, 0)

        for j in range(_K):
            for c in range(4):
                xbuf[pl.ds(576 * j + 16 * c, 16)] = accs[c]

        pltpu.sync_copy(xbuf, x_out)


_SC_EMBED_CACHE = []


def _sc_embed(idx, enc):
    if not _SC_EMBED_CACHE:
        _SC_EMBED_CACHE.append(functools.partial(
            pl.kernel,
            out_type=jax.ShapeDtypeStruct((_XROWS * _K,), jnp.float32),
            mesh=plsc.VectorSubcoreMesh(core_axis_name="c",
                                        subcore_axis_name="s"),
            scratch_types=[
                pltpu.VMEM((_CTX_A,), jnp.int32),
                pltpu.VMEM((_CTX_B,), jnp.int32),
                pltpu.VMEM((_CTX_A, _DIM), jnp.float32),
                pltpu.VMEM((_CTX_B, _DIM), jnp.float32),
                pltpu.VMEM((_XROWS * _K,), jnp.float32),
                pltpu.SemaphoreType.DMA,
            ],
            compiler_params=pltpu.CompilerParams(use_tc_tiling_on_sc=False),
        )(_sc_embed_body))
    return _SC_EMBED_CACHE[0](idx, enc)


def _decode_body(w_ref, x_ref, b_ref, out_ref, lse_ref, m_ref, s_ref):
    i = pl.program_id(0)
    acc = jnp.dot(w_ref[...], x_ref[...],
                  preferred_element_type=jnp.float32) + b_ref[...]
    out_ref[...] = acc

    @pl.when(i == 0)
    def _():
        m_ref[...] = jnp.full((1, 1), -jnp.inf, jnp.float32)
        s_ref[...] = jnp.zeros((1, 1), jnp.float32)

    m_old = m_ref[...]
    bmax = jnp.max(acc, axis=(0, 1), keepdims=True)
    m_new = jnp.maximum(m_old, bmax)
    s_new = (s_ref[...] * jnp.exp(m_old - m_new)
             + jnp.sum(jnp.exp(acc - m_new), axis=(0, 1), keepdims=True))
    s_ref[...] = s_new
    m_ref[...] = m_new

    @pl.when(i == _NSTEPS - 1)
    def _():
        lse_ref[...] = m_new + jnp.log(s_new)


def _sub_body(in_ref, lse_ref, out_ref):
    out_ref[...] = in_ref[...] - lse_ref[...]


def kernel(inputs, encode_weight, decode_weight, decode_bias):
    idx = inputs.astype(jnp.int32)
    x_flat = _sc_embed(idx, encode_weight)
    x_mat = x_flat.reshape(_K, _XROWS).T

    w8 = decode_weight.reshape(_ROWS, _K * _DIM)
    b8 = decode_bias.reshape(_ROWS, _K)

    logits8, lse = pl.pallas_call(
        _decode_body,
        grid=(_NSTEPS,),
        in_specs=[
            pl.BlockSpec((_BLK, _K * _DIM), lambda i: (i, 0)),
            pl.BlockSpec((_XROWS, _K), lambda i: (0, 0)),
            pl.BlockSpec((_BLK, _K), lambda i: (i, 0)),
        ],
        out_specs=[
            pl.BlockSpec((_BLK, _K), lambda i: (i, 0)),
            pl.BlockSpec((1, 1), lambda i: (0, 0)),
        ],
        out_shape=[
            jax.ShapeDtypeStruct((_ROWS, _K), jnp.float32),
            jax.ShapeDtypeStruct((1, 1), jnp.float32),
        ],
        scratch_shapes=[
            pltpu.VMEM((1, 1), jnp.float32),
            pltpu.VMEM((1, 1), jnp.float32),
        ],
        compiler_params=pltpu.CompilerParams(
            dimension_semantics=("arbitrary",),
        ),
    )(w8, x_mat, b8)

    out8 = pl.pallas_call(
        _sub_body,
        grid=(_NSTEPS,),
        in_specs=[
            pl.BlockSpec((_BLK, _K), lambda i: (i, 0)),
            pl.BlockSpec((1, 1), lambda i: (0, 0)),
        ],
        out_specs=pl.BlockSpec((_BLK, _K), lambda i: (i, 0)),
        out_shape=jax.ShapeDtypeStruct((_ROWS, _K), jnp.float32),
    )(logits8, lse)

    return out8.reshape(1, _VOCAB)

# --- scband reference (transcript-rebuilt; emitter-appended) ---
"""Pipeline reference for scband-cbow-15367392985406 (READ-ONLY COPY).

The authoritative reference and input builder live on the scoring server;
editing this copy changes nothing except your own understanding.
"""

import jax, jax.numpy as jnp
import numpy as np

VOCAB = 1000000
DIM = 64
CTX = 200

def setup_inputs(seed: int = 0) -> dict:
    key = jax.random.key(seed)
    k1, k2, k3 = jax.random.split(key, 3)
    inputs = jax.random.randint(k1, (CTX,), 0, VOCAB)
    encode_weight = jax.random.normal(k2, (VOCAB, DIM), dtype=jnp.float32) * 0.02
    decode_weight = jax.random.normal(k3, (VOCAB, DIM), dtype=jnp.float32) * 0.02
    decode_bias = jnp.zeros((VOCAB,), dtype=jnp.float32)
    return {"inputs": inputs, "encode_weight": encode_weight, "decode_weight": decode_weight, "decode_bias": decode_bias}

def reference(inputs, encode_weight, decode_weight, decode_bias):
    # embeds = self.encode(inputs)  -> gather rows of embedding table
    embeds = jnp.take(encode_weight, inputs, axis=0)          # [CTX, DIM]
    # add_embeds = torch.sum(embeds, dim=0).view(1, -1)
    add_embeds = jnp.sum(embeds, axis=0).reshape(1, -1)       # [1, DIM]
    # out = self.decode(add_embeds)  (nn.Linear: x @ W.T + b)
    out = add_embeds @ decode_weight.T + decode_bias[None, :] # [1, VOCAB]
    # log_probs = F.log_softmax(out, dim=1)
    log_probs = jax.nn.log_softmax(out, axis=1)
    return log_probs

if __name__ == "__main__":
    import jax
    _d = setup_inputs()
    print(jax.jit(kernel)(*tuple(_d.values())))

</pallas_src>

<mosaic_0001>
#map = affine_map<(d0, d1) -> (0)>
#map1 = affine_map<(d0, d1) -> (0, 0)>
module attributes {stable_mosaic.version = 14 : i64} {
  func.func @_sc_embed_body(%arg0: i32, %arg1: i32, %arg2: memref<200xi32, #tpu.memory_space<hbm>>, %arg3: memref<1000000x64xf32, #tpu.memory_space<hbm>>, %arg4: memref<4096xf32, #tpu.memory_space<hbm>>, %arg5: memref<104xi32, #tpu.memory_space<vmem>>, %arg6: memref<96xi32, #tpu.memory_space<vmem>>, %arg7: memref<104x64xf32, #tpu.memory_space<vmem>>, %arg8: memref<96x64xf32, #tpu.memory_space<vmem>>, %arg9: memref<4096xf32, #tpu.memory_space<vmem>>, %arg10: memref<!tpu.dma_semaphore, #tpu.memory_space<semaphore_mem>>) attributes {dimension_semantics = [#tpu.dimension_semantics<core_parallel>, #tpu.dimension_semantics<subcore_parallel>], iteration_bounds = array<i64: 2, 16>, scalar_prefetch = 0 : i64, scratch_operands = 6 : i64, tpu.core_type = #tpu.core_type<sc_vector_subcore>, window_params = [{transform_indices = #map}, {transform_indices = #map1}, {transform_indices = #map}]} {
    %mul3A = arith.constant 2 : i32
    %mul3A_0 = arith.muli %arg1, %mul3A : i32
    %add3A = arith.addi %mul3A_0, %arg0 : i32
    %eq3A = arith.constant 0 : i32
    %eq3A_1 = arith.cmpi eq, %add3A, %eq3A : i32
    %convert_element_type3A = arith.extui %eq3A_1 : i1 to i32
    %cond3A = arith.constant 0 : i32
    %cond3A_2 = arith.cmpi ne, %convert_element_type3A, %cond3A : i32
    scf.if %cond3A_2 {
      "tpu.region"() ({
        %run_scoped3A = tpu.sem_alloc : memref<!tpu.dma_semaphore, #tpu.memory_space<semaphore_mem>>
        %dma_start3A_159 = arith.constant 0 : i32
        %dma_start3A_160 = tpu.memref_slice %arg2[%dma_start3A_159] : memref<200xi32, #tpu.memory_space<hbm>> -> memref<104xi32, #tpu.memory_space<hbm>>
        %dma_start3A_161 = arith.constant 0 : i32
        %dma_start3A_162 = tpu.memref_slice %arg2[%dma_start3A_161] : memref<200xi32, #tpu.memory_space<hbm>> -> memref<104xi32, #tpu.memory_space<hbm>>
        tpu.enqueue_dma source(%dma_start3A_162 : memref<104xi32, #tpu.memory_space<hbm>>) target(%arg5 : memref<104xi32, #tpu.memory_space<vmem>>) target_semaphore(%run_scoped3A : memref<!tpu.dma_semaphore, #tpu.memory_space<semaphore_mem>>)
        %dma_wait3A_163 = arith.constant 0 : i32
        %dma_wait3A_164 = tpu.memref_slice %arg2[%dma_wait3A_163] : memref<200xi32, #tpu.memory_space<hbm>> -> memref<104xi32, #tpu.memory_space<hbm>>
        %dma_wait3A_165 = arith.constant 0 : i32
        %dma_wait3A_166 = tpu.memref_slice %arg2[%dma_wait3A_165] : memref<200xi32, #tpu.memory_space<hbm>> -> memref<104xi32, #tpu.memory_space<hbm>>
        tpu.wait_dma2 semaphore(%run_scoped3A : memref<!tpu.dma_semaphore, #tpu.memory_space<semaphore_mem>>) src(%dma_wait3A_166 : memref<104xi32, #tpu.memory_space<hbm>>) dst(%arg5 : memref<104xi32, #tpu.memory_space<vmem>>)
        tpu.yield
      }) : () -> ()
      "tpu.region"() ({
        %run_scoped3A = tpu.sem_alloc : memref<!tpu.dma_semaphore, #tpu.memory_space<semaphore_mem>>
        %dma_start3A_159 = arith.constant 104 : i32
        %dma_start3A_160 = tpu.memref_slice %arg2[%dma_start3A_159] : memref<200xi32, #tpu.memory_space<hbm>> -> memref<96xi32, #tpu.memory_space<hbm>>
        %dma_start3A_161 = arith.constant 104 : i32
        %dma_start3A_162 = tpu.memref_slice %arg2[%dma_start3A_161] : memref<200xi32, #tpu.memory_space<hbm>> -> memref<96xi32, #tpu.memory_space<hbm>>
        tpu.enqueue_dma source(%dma_start3A_162 : memref<96xi32, #tpu.memory_space<hbm>>) target(%arg6 : memref<96xi32, #tpu.memory_space<vmem>>) target_semaphore(%run_scoped3A : memref<!tpu.dma_semaphore, #tpu.memory_space<semaphore_mem>>)
        %dma_wait3A_163 = arith.constant 104 : i32
        %dma_wait3A_164 = tpu.memref_slice %arg2[%dma_wait3A_163] : memref<200xi32, #tpu.memory_space<hbm>> -> memref<96xi32, #tpu.memory_space<hbm>>
        %dma_wait3A_165 = arith.constant 104 : i32
        %dma_wait3A_166 = tpu.memref_slice %arg2[%dma_wait3A_165] : memref<200xi32, #tpu.memory_space<hbm>> -> memref<96xi32, #tpu.memory_space<hbm>>
        tpu.wait_dma2 semaphore(%run_scoped3A : memref<!tpu.dma_semaphore, #tpu.memory_space<semaphore_mem>>) src(%dma_wait3A_166 : memref<96xi32, #tpu.memory_space<hbm>>) dst(%arg6 : memref<96xi32, #tpu.memory_space<vmem>>)
        tpu.yield
      }) : () -> ()
      %dma_start3A = arith.constant 0 : i32
      %dma_start3A_3 = arith.constant 0 : i32
      %dma_start3A_4 = tpu.memref_slice %arg3[%dma_start3A, %dma_start3A_3] : memref<1000000x64xf32, #tpu.memory_space<hbm>> -> memref<1000000x64xf32, #tpu.memory_space<hbm>>
      tpu.enqueue_indirect_dma source(%dma_start3A_4 : memref<1000000x64xf32, #tpu.memory_space<hbm>>) target(%arg7 : memref<104x64xf32, #tpu.memory_space<vmem>>) offsets(%arg5 : memref<104xi32, #tpu.memory_space<vmem>>) semaphore(%arg10 : memref<!tpu.dma_semaphore, #tpu.memory_space<semaphore_mem>>)
      %dma_start3A_5 = arith.constant 0 : i32
      %dma_start3A_6 = arith.constant 0 : i32
      %dma_start3A_7 = tpu.memref_slice %arg3[%dma_start3A_5, %dma_start3A_6] : memref<1000000x64xf32, #tpu.memory_space<hbm>> -> memref<1000000x64xf32, #tpu.memory_space<hbm>>
      tpu.enqueue_indirect_dma source(%dma_start3A_7 : memref<1000000x64xf32, #tpu.memory_space<hbm>>) target(%arg8 : memref<96x64xf32, #tpu.memory_space<vmem>>) offsets(%arg6 : memref<96xi32, #tpu.memory_space<vmem>>) semaphore(%arg10 : memref<!tpu.dma_semaphore, #tpu.memory_space<semaphore_mem>>)
      %dma_wait3A = arith.constant 0 : i32
      %dma_wait3A_8 = arith.constant 0 : i32
      %dma_wait3A_9 = tpu.memref_slice %arg3[%dma_wait3A, %dma_wait3A_8] : memref<1000000x64xf32, #tpu.memory_space<hbm>> -> memref<1000000x64xf32, #tpu.memory_space<hbm>>
      tpu.wait_indirect_dma semaphore(%arg10 : memref<!tpu.dma_semaphore, #tpu.memory_space<semaphore_mem>>) src(%dma_wait3A_9 : memref<1000000x64xf32, #tpu.memory_space<hbm>>) dst(%arg7 : memref<104x64xf32, #tpu.memory_space<vmem>>)
      %dma_wait3A_10 = arith.constant 0 : i32
      %dma_wait3A_11 = arith.constant 0 : i32
      %dma_wait3A_12 = tpu.memref_slice %arg3[%dma_wait3A_10, %dma_wait3A_11] : memref<1000000x64xf32, #tpu.memory_space<hbm>> -> memref<1000000x64xf32, #tpu.memory_space<hbm>>
      tpu.wait_indirect_dma semaphore(%arg10 : memref<!tpu.dma_semaphore, #tpu.memory_space<semaphore_mem>>) src(%dma_wait3A_12 : memref<1000000x64xf32, #tpu.memory_space<hbm>>) dst(%arg8 : memref<96x64xf32, #tpu.memory_space<vmem>>)
      %broadcast_in_dim3A = arith.constant 0.000000e+00 : f32
      %broadcast_in_dim3A_13 = vector.broadcast %broadcast_in_dim3A : f32 to vector<16xf32>
      %scan3A = arith.constant 0 : i32
      %scan3A_14 = arith.constant 104 : i32
      %scan3A_15 = arith.addi %scan3A, %scan3A_14 : i32
      %scan3A_16 = arith.constant 1 : i32
      %scan3A_17:4 = scf.for %scan3A_159 = %scan3A to %scan3A_15 step %scan3A_16 iter_args(%scan3A_160 = %broadcast_in_dim3A_13, %scan3A_161 = %broadcast_in_dim3A_13, %scan3A_162 = %broadcast_in_dim3A_13, %scan3A_163 = %broadcast_in_dim3A_13) -> (vector<16xf32>, vector<16xf32>, vector<16xf32>, vector<16xf32>)  : i32 {
        %get3A = arith.index_cast %scan3A_159 : i32 to index
        %get3A_164 = arith.constant 0 : index
        %get3A_165 = tpu.vector_load %arg7[%get3A, %get3A_164] {strides = array<i32>} : memref<104x64xf32, #tpu.memory_space<vmem>>, vector<1x16xf32>,
        %get3A_166 = vector.shape_cast %get3A_165 : vector<1x16xf32> to vector<16xf32>
        %add3A_167 = arith.addf %scan3A_160, %get3A_166 : vector<16xf32>
        %get3A_168 = arith.index_cast %scan3A_159 : i32 to index
        %get3A_169 = arith.constant 16 : index
        %get3A_170 = tpu.vector_load %arg7[%get3A_168, %get3A_169] {strides = array<i32>} : memref<104x64xf32, #tpu.memory_space<vmem>>, vector<1x16xf32>,
        %get3A_171 = vector.shape_cast %get3A_170 : vector<1x16xf32> to vector<16xf32>
        %add3A_172 = arith.addf %scan3A_161, %get3A_171 : vector<16xf32>
        %get3A_173 = arith.index_cast %scan3A_159 : i32 to index
        %get3A_174 = arith.constant 32 : index
        %get3A_175 = tpu.vector_load %arg7[%get3A_173, %get3A_174] {strides = array<i32>} : memref<104x64xf32, #tpu.memory_space<vmem>>, vector<1x16xf32>,
        %get3A_176 = vector.shape_cast %get3A_175 : vector<1x16xf32> to vector<16xf32>
        %add3A_177 = arith.addf %scan3A_162, %get3A_176 : vector<16xf32>
        %get3A_178 = arith.index_cast %scan3A_159 : i32 to index
        %get3A_179 = arith.constant 48 : index
        %get3A_180 = tpu.vector_load %arg7[%get3A_178, %get3A_179] {strides = array<i32>} : memref<104x64xf32, #tpu.memory_space<vmem>>, vector<1x16xf32>,
        %get3A_181 = vector.shape_cast %get3A_180 : vector<1x16xf32> to vector<16xf32>
        %add3A_182 = arith.addf %scan3A_163, %get3A_181 : vector<16xf32>
        scf.yield %add3A_167, %add3A_172, %add3A_177, %add3A_182 : vector<16xf32>, vector<16xf32>, vector<16xf32>, vector<16xf32>
      }
      %scan3A_18 = arith.constant 104 : i32
      %scan3A_19 = arith.constant 0 : i32
      %scan3A_20 = arith.constant 96 : i32
      %scan3A_21 = arith.addi %scan3A_19, %scan3A_20 : i32
      %scan3A_22 = arith.constant 1 : i32
      %scan3A_23:4 = scf.for %scan3A_159 = %scan3A_19 to %scan3A_21 step %scan3A_22 iter_args(%scan3A_160 = %scan3A_17#0, %scan3A_161 = %scan3A_17#1, %scan3A_162 = %scan3A_17#2, %scan3A_163 = %scan3A_17#3) -> (vector<16xf32>, vector<16xf32>, vector<16xf32>, vector<16xf32>)  : i32 {
        %get3A = arith.index_cast %scan3A_159 : i32 to index
        %get3A_164 = arith.constant 0 : index
        %get3A_165 = tpu.vector_load %arg8[%get3A, %get3A_164] {strides = array<i32>} : memref<96x64xf32, #tpu.memory_space<vmem>>, vector<1x16xf32>,
        %get3A_166 = vector.shape_cast %get3A_165 : vector<1x16xf32> to vector<16xf32>
        %add3A_167 = arith.addf %scan3A_160, %get3A_166 : vector<16xf32>
        %get3A_168 = arith.index_cast %scan3A_159 : i32 to index
        %get3A_169 = arith.constant 16 : index
        %get3A_170 = tpu.vector_load %arg8[%get3A_168, %get3A_169] {strides = array<i32>} : memref<96x64xf32, #tpu.memory_space<vmem>>, vector<1x16xf32>,
        %get3A_171 = vector.shape_cast %get3A_170 : vector<1x16xf32> to vector<16xf32>
        %add3A_172 = arith.addf %scan3A_161, %get3A_171 : vector<16xf32>
        %get3A_173 = arith.index_cast %scan3A_159 : i32 to index
        %get3A_174 = arith.constant 32 : index
        %get3A_175 = tpu.vector_load %arg8[%get3A_173, %get3A_174] {strides = array<i32>} : memref<96x64xf32, #tpu.memory_space<vmem>>, vector<1x16xf32>,
        %get3A_176 = vector.shape_cast %get3A_175 : vector<1x16xf32> to vector<16xf32>
        %add3A_177 = arith.addf %scan3A_162, %get3A_176 : vector<16xf32>
        %get3A_178 = arith.index_cast %scan3A_159 : i32 to index
        %get3A_179 = arith.constant 48 : index
        %get3A_180 = tpu.vector_load %arg8[%get3A_178, %get3A_179] {strides = array<i32>} : memref<96x64xf32, #tpu.memory_space<vmem>>, vector<1x16xf32>,
        %get3A_181 = vector.shape_cast %get3A_180 : vector<1x16xf32> to vector<16xf32>
        %add3A_182 = arith.addf %scan3A_163, %get3A_181 : vector<16xf32>
        scf.yield %add3A_167, %add3A_172, %add3A_177, %add3A_182 : vector<16xf32>, vector<16xf32>, vector<16xf32>, vector<16xf32>
      }
      %scan3A_24 = arith.constant 96 : i32
      %scan3A_25 = arith.constant 0 : i32
      %scan3A_26 = arith.constant 0 : i32
      %scan3A_27 = arith.constant 256 : i32
      %scan3A_28 = arith.addi %scan3A_26, %scan3A_27 : i32
      %scan3A_29 = arith.constant 1 : i32
      %scan3A_30 = scf.for %scan3A_159 = %scan3A_26 to %scan3A_28 step %scan3A_29 iter_args(%scan3A_160 = %scan3A_25) -> (i32)  : i32 {
        %mul3A_161 = arith.constant 16 : i32
        %mul3A_162 = arith.muli %scan3A_159, %mul3A_161 : i32
        %swap3A_163 = arith.index_cast %mul3A_162 : i32 to index
        %swap3A_164 = tpu.vector_load %arg9[%swap3A_163] {strides = array<i32>} : memref<4096xf32, #tpu.memory_space<vmem>>, vector<16xf32>,
        %swap3A_165 = vector.shape_cast %swap3A_164 : vector<16xf32> to vector<16xf32>
        %swap3A_166 = vector.shape_cast %broadcast_in_dim3A_13 : vector<16xf32> to vector<16xf32>
        tpu.vector_store %arg9[%swap3A_163], %swap3A_166 {strides = array<i32>} : memref<4096xf32, #tpu.memory_space<vmem>>, vector<16xf32>,
        %scan3A_167 = arith.constant 0 : i32
        scf.yield %scan3A_167 : i32
      }
      %scan3A_31 = arith.constant 256 : i32
      %swap3A = arith.constant 0 : index
      %swap3A_32 = tpu.vector_load %arg9[%swap3A] {strides = array<i32>} : memref<4096xf32, #tpu.memory_space<vmem>>, vector<16xf32>,
      %swap3A_33 = vector.shape_cast %swap3A_32 : vector<16xf32> to vector<16xf32>
      %swap3A_34 = vector.shape_cast %scan3A_23#0 : vector<16xf32> to vector<16xf32>
      tpu.vector_store %arg9[%swap3A], %swap3A_34 {strides = array<i32>} : memref<4096xf32, #tpu.memory_space<vmem>>, vector<16xf32>,
      %swap3A_35 = arith.constant 16 : index
      %swap3A_36 = tpu.vector_load %arg9[%swap3A_35] {strides = array<i32>} : memref<4096xf32, #tpu.memory_space<vmem>>, vector<16xf32>,
      %swap3A_37 = vector.shape_cast %swap3A_36 : vector<16xf32> to vector<16xf32>
      %swap3A_38 = vector.shape_cast %scan3A_23#1 : vector<16xf32> to vector<16xf32>
      tpu.vector_store %arg9[%swap3A_35], %swap3A_38 {strides = array<i32>} : memref<4096xf32, #tpu.memory_space<vmem>>, vector<16xf32>,
      %swap3A_39 = arith.constant 32 : index
      %swap3A_40 = tpu.vector_load %arg9[%swap3A_39] {strides = array<i32>} : memref<4096xf32, #tpu.memory_space<vmem>>, vector<16xf32>,
      %swap3A_41 = vector.shape_cast %swap3A_40 : vector<16xf32> to vector<16xf32>
      %swap3A_42 = vector.shape_cast %scan3A_23#2 : vector<16xf32> to vector<16xf32>
      tpu.vector_store %arg9[%swap3A_39], %swap3A_42 {strides = array<i32>} : memref<4096xf32, #tpu.memory_space<vmem>>, vector<16xf32>,
      %swap3A_43 = arith.constant 48 : index
      %swap3A_44 = tpu.vector_load %arg9[%swap3A_43] {strides = array<i32>} : memref<4096xf32, #tpu.memory_space<vmem>>, vector<16xf32>,
      %swap3A_45 = vector.shape_cast %swap3A_44 : vector<16xf32> to vector<16xf32>
      %swap3A_46 = vector.shape_cast %scan3A_23#3 : vector<16xf32> to vector<16xf32>
      tpu.vector_store %arg9[%swap3A_43], %swap3A_46 {strides = array<i32>} : memref<4096xf32, #tpu.memory_space<vmem>>, vector<16xf32>,
      %swap3A_47 = arith.constant 576 : index
      %swap3A_48 = tpu.vector_load %arg9[%swap3A_47] {strides = array<i32>} : memref<4096xf32, #tpu.memory_space<vmem>>, vector<16xf32>,
      %swap3A_49 = vector.shape_cast %swap3A_48 : vector<16xf32> to vector<16xf32>
      %swap3A_50 = vector.shape_cast %scan3A_23#0 : vector<16xf32> to vector<16xf32>
      tpu.vector_store %arg9[%swap3A_47], %swap3A_50 {strides = array<i32>} : memref<4096xf32, #tpu.memory_space<vmem>>, vector<16xf32>,
      %swap3A_51 = arith.constant 592 : index
      %swap3A_52 = tpu.vector_load %arg9[%swap3A_51] {strides = array<i32>} : memref<4096xf32, #tpu.memory_space<vmem>>, vector<16xf32>,
      %swap3A_53 = vector.shape_cast %swap3A_52 : vector<16xf32> to vector<16xf32>
      %swap3A_54 = vector.shape_cast %scan3A_23#1 : vector<16xf32> to vector<16xf32>
      tpu.vector_store %arg9[%swap3A_51], %swap3A_54 {strides = array<i32>} : memref<4096xf32, #tpu.memory_space<vmem>>, vector<16xf32>,
      %swap3A_55 = arith.constant 608 : index
      %swap3A_56 = tpu.vector_load %arg9[%swap3A_55] {strides = array<i32>} : memref<4096xf32, #tpu.memory_space<vmem>>, vector<16xf32>,
      %swap3A_57 = vector.shape_cast %swap3A_56 : vector<16xf32> to vector<16xf32>
      %swap3A_58 = vector.shape_cast %scan3A_23#2 : vector<16xf32> to vector<16xf32>
      tpu.vector_store %arg9[%swap3A_55], %swap3A_58 {strides = array<i32>} : memref<4096xf32, #tpu.memory_space<vmem>>, vector<16xf32>,
      %swap3A_59 = arith.constant 624 : index
      %swap3A_60 = tpu.vector_load %arg9[%swap3A_59] {strides = array<i32>} : memref<4096xf32, #tpu.memory_space<vmem>>, vector<16xf32>,
      %swap3A_61 = vector.shape_cast %swap3A_60 : vector<16xf32> to vector<16xf32>
      %swap3A_62 = vector.shape_cast %scan3A_23#3 : vector<16xf32> to vector<16xf32>
      tpu.vector_store %arg9[%swap3A_59], %swap3A_62 {strides = array<i32>} : memref<4096xf32, #tpu.memory_space<vmem>>, vector<16xf32>,
      %swap3A_63 = arith.constant 1152 : index
      %swap3A_64 = tpu.vector_load %arg9[%swap3A_63] {strides = array<i32>} : memref<4096xf32, #tpu.memory_space<vmem>>, vector<16xf32>,
      %swap3A_65 = vector.shape_cast %swap3A_64 : vector<16xf32> to vector<16xf32>
      %swap3A_66 = vector.shape_cast %scan3A_23#0 : vector<16xf32> to vector<16xf32>
      tpu.vector_store %arg9[%swap3A_63], %swap3A_66 {strides = array<i32>} : memref<4096xf32, #tpu.memory_space<vmem>>, vector<16xf32>,
      %swap3A_67 = arith.constant 1168 : index
      %swap3A_68 = tpu.vector_load %arg9[%swap3A_67] {strides = array<i32>} : memref<4096xf32, #tpu.memory_space<vmem>>, vector<16xf32>,
      %swap3A_69 = vector.shape_cast %swap3A_68 : vector<16xf32> to vector<16xf32>
      %swap3A_70 = vector.shape_cast %scan3A_23#1 : vector<16xf32> to vector<16xf32>
      tpu.vector_store %arg9[%swap3A_67], %swap3A_70 {strides = array<i32>} : memref<4096xf32, #tpu.memory_space<vmem>>, vector<16xf32>,
      %swap3A_71 = arith.constant 1184 : index
      %swap3A_72 = tpu.vector_load %arg9[%swap3A_71] {strides = array<i32>} : memref<4096xf32, #tpu.memory_space<vmem>>, vector<16xf32>,
      %swap3A_73 = vector.shape_cast %swap3A_72 : vector<16xf32> to vector<16xf32>
      %swap3A_74 = vector.shape_cast %scan3A_23#2 : vector<16xf32> to vector<16xf32>
      tpu.vector_store %arg9[%swap3A_71], %swap3A_74 {strides = array<i32>} : memref<4096xf32, #tpu.memory_space<vmem>>, vector<16xf32>,
      %swap3A_75 = arith.constant 1200 : index
      %swap3A_76 = tpu.vector_load %arg9[%swap3A_75] {strides = array<i32>} : memref<4096xf32, #tpu.memory_space<vmem>>, vector<16xf32>,
      %swap3A_77 = vector.shape_cast %swap3A_76 : vector<16xf32> to vector<16xf32>
      %swap3A_78 = vector.shape_cast %scan3A_23#3 : vector<16xf32> to vector<16xf32>
      tpu.vector_store %arg9[%swap3A_75], %swap3A_78 {strides = array<i32>} : memref<4096xf32, #tpu.memory_space<vmem>>, vector<16xf32>,
      %swap3A_79 = arith.constant 1728 : index
      %swap3A_80 = tpu.vector_load %arg9[%swap3A_79] {strides = array<i32>} : memref<4096xf32, #tpu.memory_space<vmem>>, vector<16xf32>,
      %swap3A_81 = vector.shape_cast %swap3A_80 : vector<16xf32> to vector<16xf32>
      %swap3A_82 = vector.shape_cast %scan3A_23#0 : vector<16xf32> to vector<16xf32>
      tpu.vector_store %arg9[%swap3A_79], %swap3A_82 {strides = array<i32>} : memref<4096xf32, #tpu.memory_space<vmem>>, vector<16xf32>,
      %swap3A_83 = arith.constant 1744 : index
      %swap3A_84 = tpu.vector_load %arg9[%swap3A_83] {strides = array<i32>} : memref<4096xf32, #tpu.memory_space<vmem>>, vector<16xf32>,
      %swap3A_85 = vector.shape_cast %swap3A_84 : vector<16xf32> to vector<16xf32>
      %swap3A_86 = vector.shape_cast %scan3A_23#1 : vector<16xf32> to vector<16xf32>
      tpu.vector_store %arg9[%swap3A_83], %swap3A_86 {strides = array<i32>} : memref<4096xf32, #tpu.memory_space<vmem>>, vector<16xf32>,
      %swap3A_87 = arith.constant 1760 : index
      %swap3A_88 = tpu.vector_load %arg9[%swap3A_87] {strides = array<i32>} : memref<4096xf32, #tpu.memory_space<vmem>>, vector<16xf32>,
      %swap3A_89 = vector.shape_cast %swap3A_88 : vector<16xf32> to vector<16xf32>
      %swap3A_90 = vector.shape_cast %scan3A_23#2 : vector<16xf32> to vector<16xf32>
      tpu.vector_store %arg9[%swap3A_87], %swap3A_90 {strides = array<i32>} : memref<4096xf32, #tpu.memory_space<vmem>>, vector<16xf32>,
      %swap3A_91 = arith.constant 1776 : index
      %swap3A_92 = tpu.vector_load %arg9[%swap3A_91] {strides = array<i32>} : memref<4096xf32, #tpu.memory_space<vmem>>, vector<16xf32>,
      %swap3A_93 = vector.shape_cast %swap3A_92 : vector<16xf32> to vector<16xf32>
      %swap3A_94 = vector.shape_cast %scan3A_23#3 : vector<16xf32> to vector<16xf32>
      tpu.vector_store %arg9[%swap3A_91], %swap3A_94 {strides = array<i32>} : memref<4096xf32, #tpu.memory_space<vmem>>, vector<16xf32>,
      %swap3A_95 = arith.constant 2304 : index
      %swap3A_96 = tpu.vector_load %arg9[%swap3A_95] {strides = array<i32>} : memref<4096xf32, #tpu.memory_space<vmem>>, vector<16xf32>,
      %swap3A_97 = vector.shape_cast %swap3A_96 : vector<16xf32> to vector<16xf32>
      %swap3A_98 = vector.shape_cast %scan3A_23#0 : vector<16xf32> to vector<16xf32>
      tpu.vector_store %arg9[%swap3A_95], %swap3A_98 {strides = array<i32>} : memref<4096xf32, #tpu.memory_space<vmem>>, vector<16xf32>,
      %swap3A_99 = arith.constant 2320 : index
      %swap3A_100 = tpu.vector_load %arg9[%swap3A_99] {strides = array<i32>} : memref<4096xf32, #tpu.memory_space<vmem>>, vector<16xf32>,
      %swap3A_101 = vector.shape_cast %swap3A_100 : vector<16xf32> to vector<16xf32>
      %swap3A_102 = vector.shape_cast %scan3A_23#1 : vector<16xf32> to vector<16xf32>
      tpu.vector_store %arg9[%swap3A_99], %swap3A_102 {strides = array<i32>} : memref<4096xf32, #tpu.memory_space<vmem>>, vector<16xf32>,
      %swap3A_103 = arith.constant 2336 : index
      %swap3A_104 = tpu.vector_load %arg9[%swap3A_103] {strides = array<i32>} : memref<4096xf32, #tpu.memory_space<vmem>>, vector<16xf32>,
      %swap3A_105 = vector.shape_cast %swap3A_104 : vector<16xf32> to vector<16xf32>
      %swap3A_106 = vector.shape_cast %scan3A_23#2 : vector<16xf32> to vector<16xf32>
      tpu.vector_store %arg9[%swap3A_103], %swap3A_106 {strides = array<i32>} : memref<4096xf32, #tpu.memory_space<vmem>>, vector<16xf32>,
      %swap3A_107 = arith.constant 2352 : index
      %swap3A_108 = tpu.vector_load %arg9[%swap3A_107] {strides = array<i32>} : memref<4096xf32, #tpu.memory_space<vmem>>, vector<16xf32>,
      %swap3A_109 = vector.shape_cast %swap3A_108 : vector<16xf32> to vector<16xf32>
      %swap3A_110 = vector.shape_cast %scan3A_23#3 : vector<16xf32> to vector<16xf32>
      tpu.vector_store %arg9[%swap3A_107], %swap3A_110 {strides = array<i32>} : memref<4096xf32, #tpu.memory_space<vmem>>, vector<16xf32>,
      %swap3A_111 = arith.constant 2880 : index
      %swap3A_112 = tpu.vector_load %arg9[%swap3A_111] {strides = array<i32>} : memref<4096xf32, #tpu.memory_space<vmem>>, vector<16xf32>,
      %swap3A_113 = vector.shape_cast %swap3A_112 : vector<16xf32> to vector<16xf32>
      %swap3A_114 = vector.shape_cast %scan3A_23#0 : vector<16xf32> to vector<16xf32>
      tpu.vector_store %arg9[%swap3A_111], %swap3A_114 {strides = array<i32>} : memref<4096xf32, #tpu.memory_space<vmem>>, vector<16xf32>,
      %swap3A_115 = arith.constant 2896 : index
      %swap3A_116 = tpu.vector_load %arg9[%swap3A_115] {strides = array<i32>} : memref<4096xf32, #tpu.memory_space<vmem>>, vector<16xf32>,
      %swap3A_117 = vector.shape_cast %swap3A_116 : vector<16xf32> to vector<16xf32>
      %swap3A_118 = vector.shape_cast %scan3A_23#1 : vector<16xf32> to vector<16xf32>
      tpu.vector_store %arg9[%swap3A_115], %swap3A_118 {strides = array<i32>} : memref<4096xf32, #tpu.memory_space<vmem>>, vector<16xf32>,
      %swap3A_119 = arith.constant 2912 : index
      %swap3A_120 = tpu.vector_load %arg9[%swap3A_119] {strides = array<i32>} : memref<4096xf32, #tpu.memory_space<vmem>>, vector<16xf32>,
      %swap3A_121 = vector.shape_cast %swap3A_120 : vector<16xf32> to vector<16xf32>
      %swap3A_122 = vector.shape_cast %scan3A_23#2 : vector<16xf32> to vector<16xf32>
      tpu.vector_store %arg9[%swap3A_119], %swap3A_122 {strides = array<i32>} : memref<4096xf32, #tpu.memory_space<vmem>>, vector<16xf32>,
      %swap3A_123 = arith.constant 2928 : index
      %swap3A_124 = tpu.vector_load %arg9[%swap3A_123] {strides = array<i32>} : memref<4096xf32, #tpu.memory_space<vmem>>, vector<16xf32>,
      %swap3A_125 = vector.shape_cast %swap3A_124 : vector<16xf32> to vector<16xf32>
      %swap3A_126 = vector.shape_cast %scan3A_23#3 : vector<16xf32> to vector<16xf32>
      tpu.vector_store %arg9[%swap3A_123], %swap3A_126 {strides = array<i32>} : memref<4096xf32, #tpu.memory_space<vmem>>, vector<16xf32>,
      %swap3A_127 = arith.constant 3456 : index
      %swap3A_128 = tpu.vector_load %arg9[%swap3A_127] {strides = array<i32>} : memref<4096xf32, #tpu.memory_space<vmem>>, vector<16xf32>,
      %swap3A_129 = vector.shape_cast %swap3A_128 : vector<16xf32> to vector<16xf32>
      %swap3A_130 = vector.shape_cast %scan3A_23#0 : vector<16xf32> to vector<16xf32>
      tpu.vector_store %arg9[%swap3A_127], %swap3A_130 {strides = array<i32>} : memref<4096xf32, #tpu.memory_space<vmem>>, vector<16xf32>,
      %swap3A_131 = arith.constant 3472 : index
      %swap3A_132 = tpu.vector_load %arg9[%swap3A_131] {strides = array<i32>} : memref<4096xf32, #tpu.memory_space<vmem>>, vector<16xf32>,
      %swap3A_133 = vector.shape_cast %swap3A_132 : vector<16xf32> to vector<16xf32>
      %swap3A_134 = vector.shape_cast %scan3A_23#1 : vector<16xf32> to vector<16xf32>
      tpu.vector_store %arg9[%swap3A_131], %swap3A_134 {strides = array<i32>} : memref<4096xf32, #tpu.memory_space<vmem>>, vector<16xf32>,
      %swap3A_135 = arith.constant 3488 : index
      %swap3A_136 = tpu.vector_load %arg9[%swap3A_135] {strides = array<i32>} : memref<4096xf32, #tpu.memory_space<vmem>>, vector<16xf32>,
      %swap3A_137 = vector.shape_cast %swap3A_136 : vector<16xf32> to vector<16xf32>
      %swap3A_138 = vector.shape_cast %scan3A_23#2 : vector<16xf32> to vector<16xf32>
      tpu.vector_store %arg9[%swap3A_135], %swap3A_138 {strides = array<i32>} : memref<4096xf32, #tpu.memory_space<vmem>>, vector<16xf32>,
      %swap3A_139 = arith.constant 3504 : index
      %swap3A_140 = tpu.vector_load %arg9[%swap3A_139] {strides = array<i32>} : memref<4096xf32, #tpu.memory_space<vmem>>, vector<16xf32>,
      %swap3A_141 = vector.shape_cast %swap3A_140 : vector<16xf32> to vector<16xf32>
      %swap3A_142 = vector.shape_cast %scan3A_23#3 : vector<16xf32> to vector<16xf32>
      tpu.vector_store %arg9[%swap3A_139], %swap3A_142 {strides = array<i32>} : memref<4096xf32, #tpu.memory_space<vmem>>, vector<16xf32>,
      %swap3A_143 = arith.constant 4032 : index
      %swap3A_144 = tpu.vector_load %arg9[%swap3A_143] {strides = array<i32>} : memref<4096xf32, #tpu.memory_space<vmem>>, vector<16xf32>,
      %swap3A_145 = vector.shape_cast %swap3A_144 : vector<16xf32> to vector<16xf32>
      %swap3A_146 = vector.shape_cast %scan3A_23#0 : vector<16xf32> to vector<16xf32>
      tpu.vector_store %arg9[%swap3A_143], %swap3A_146 {strides = array<i32>} : memref<4096xf32, #tpu.memory_space<vmem>>, vector<16xf32>,
      %swap3A_147 = arith.constant 4048 : index
      %swap3A_148 = tpu.vector_load %arg9[%swap3A_147] {strides = array<i32>} : memref<4096xf32, #tpu.memory_space<vmem>>, vector<16xf32>,
      %swap3A_149 = vector.shape_cast %swap3A_148 : vector<16xf32> to vector<16xf32>
      %swap3A_150 = vector.shape_cast %scan3A_23#1 : vector<16xf32> to vector<16xf32>
      tpu.vector_store %arg9[%swap3A_147], %swap3A_150 {strides = array<i32>} : memref<4096xf32, #tpu.memory_space<vmem>>, vector<16xf32>,
      %swap3A_151 = arith.constant 4064 : index
      %swap3A_152 = tpu.vector_load %arg9[%swap3A_151] {strides = array<i32>} : memref<4096xf32, #tpu.memory_space<vmem>>, vector<16xf32>,
      %swap3A_153 = vector.shape_cast %swap3A_152 : vector<16xf32> to vector<16xf32>
      %swap3A_154 = vector.shape_cast %scan3A_23#2 : vector<16xf32> to vector<16xf32>
      tpu.vector_store %arg9[%swap3A_151], %swap3A_154 {strides = array<i32>} : memref<4096xf32, #tpu.memory_space<vmem>>, vector<16xf32>,
      %swap3A_155 = arith.constant 4080 : index
      %swap3A_156 = tpu.vector_load %arg9[%swap3A_155] {strides = array<i32>} : memref<4096xf32, #tpu.memory_space<vmem>>, vector<16xf32>,
      %swap3A_157 = vector.shape_cast %swap3A_156 : vector<16xf32> to vector<16xf32>
      %swap3A_158 = vector.shape_cast %scan3A_23#3 : vector<16xf32> to vector<16xf32>
      tpu.vector_store %arg9[%swap3A_155], %swap3A_158 {strides = array<i32>} : memref<4096xf32, #tpu.memory_space<vmem>>, vector<16xf32>,
      "tpu.region"() ({
        %run_scoped3A = tpu.sem_alloc : memref<!tpu.dma_semaphore, #tpu.memory_space<semaphore_mem>>
        tpu.enqueue_dma source(%arg9 : memref<4096xf32, #tpu.memory_space<vmem>>) target(%arg4 : memref<4096xf32, #tpu.memory_space<hbm>>) target_semaphore(%run_scoped3A : memref<!tpu.dma_semaphore, #tpu.memory_space<semaphore_mem>>)
        tpu.wait_dma2 semaphore(%run_scoped3A : memref<!tpu.dma_semaphore, #tpu.memory_space<semaphore_mem>>) src(%arg9 : memref<4096xf32, #tpu.memory_space<vmem>>) dst(%arg4 : memref<4096xf32, #tpu.memory_space<hbm>>)
        tpu.yield
      }) : () -> ()
    } else {
    }
    return
  }
}

module attributes {stable_mosaic.version = 14 : i64} {
  func.func @_decode_body(%arg0: i32, %arg1: memref<5000x512xf32, #tpu.memory_space<vmem>>, %arg2: memref<512x8xf32, #tpu.memory_space<vmem>>, %arg3: memref<5000x8xf32, #tpu.memory_space<vmem>>, %arg4: memref<5000x8xf32, #tpu.memory_space<vmem>>, %arg5: memref<1x1xf32, #tpu.memory_space<vmem>>, %arg6: memref<1x1xf32, #tpu.memory_space<vmem>>, %arg7: memref<1x1xf32, #tpu.memory_space<vmem>>) attributes {dimension_semantics = [#tpu.dimension_semantics<arbitrary>], iteration_bounds = array<i64: 25>, scalar_prefetch = 0 : i64, scratch_operands = 2 : i64, tpu.core_type = #tpu.core_type<tc>, window_params = [{transform_indices = @transform_0, window_bounds = array<i64: 5000, 512>}, {pipeline_mode = #tpu.pipeline_mode<synchronous>, transform_indices = @transform_1, window_bounds = array<i64: 512, 8>}, {transform_indices = @transform_2, window_bounds = array<i64: 5000, 8>}, {transform_indices = @transform_3, window_bounds = array<i64: 5000, 8>}, {pipeline_mode = #tpu.pipeline_mode<synchronous>, transform_indices = @transform_4, window_bounds = array<i64: 1, 1>}]} {
    %get3A = arith.constant 0 : index
    %get3A_0 = arith.constant 0 : index
    %get3A_1 = vector.load %arg1[%get3A, %get3A_0] : memref<5000x512xf32, #tpu.memory_space<vmem>>, vector<5000x512xf32>
    %get3A_2 = arith.constant 0 : index
    %get3A_3 = arith.constant 0 : index
    %get3A_4 = vector.load %arg2[%get3A_2, %get3A_3] : memref<512x8xf32, #tpu.memory_space<vmem>>, vector<512x8xf32>
    %dot_general3A = arith.constant dense<0.000000e+00> : vector<5000x8xf32>
    %dot_general3A_5 = tpu.matmul %get3A_1, %get3A_4, %dot_general3A {dimension_numbers = #tpu.dot_dimension_numbers<[1], [0], [0], [1], [0, 0, 1, 1], [], []>, transpose_lhs_hint = false} : vector<5000x512xf32>, vector<512x8xf32>, vector<5000x8xf32> -> vector<5000x8xf32>
    %get3A_6 = arith.constant 0 : index
    %get3A_7 = arith.constant 0 : index
    %get3A_8 = vector.load %arg3[%get3A_6, %get3A_7] : memref<5000x8xf32, #tpu.memory_space<vmem>>, vector<5000x8xf32>
    %add3A = arith.addf %dot_general3A_5, %get3A_8 : vector<5000x8xf32>
    %swap3A = arith.constant 0 : index
    %swap3A_9 = arith.constant 0 : index
    %swap3A_10 = vector.load %arg4[%swap3A, %swap3A_9] : memref<5000x8xf32, #tpu.memory_space<vmem>>, vector<5000x8xf32>
    tpu.vector_store %arg4[%swap3A, %swap3A_9], %add3A {strides = array<i32>} : memref<5000x8xf32, #tpu.memory_space<vmem>>, vector<5000x8xf32>,
    %eq3A = arith.constant 0 : i32
    %eq3A_11 = arith.cmpi eq, %arg0, %eq3A : i32
    %convert_element_type3A = arith.extui %eq3A_11 : i1 to i32
    %cond3A = arith.constant 0 : i32
    %cond3A_12 = arith.cmpi ne, %convert_element_type3A, %cond3A : i32
    scf.if %cond3A_12 {
      %broadcast_in_dim3A_43 = arith.constant 0xFF800000 : f32
      %broadcast_in_dim3A_44 = vector.broadcast %broadcast_in_dim3A_43 : f32 to vector<1x1xf32>
      %swap3A_45 = arith.constant 0 : index
      %swap3A_46 = arith.constant 0 : index
      %swap3A_47 = vector.load %arg6[%swap3A_45, %swap3A_46] : memref<1x1xf32, #tpu.memory_space<vmem>>, vector<1x1xf32>
      tpu.vector_store %arg6[%swap3A_45, %swap3A_46], %broadcast_in_dim3A_44 {strides = array<i32>} : memref<1x1xf32, #tpu.memory_space<vmem>>, vector<1x1xf32>,
      %broadcast_in_dim3A_48 = arith.constant 0.000000e+00 : f32
      %broadcast_in_dim3A_49 = vector.broadcast %broadcast_in_dim3A_48 : f32 to vector<1x1xf32>
      %swap3A_50 = arith.constant 0 : index
      %swap3A_51 = arith.constant 0 : index
      %swap3A_52 = vector.load %arg7[%swap3A_50, %swap3A_51] : memref<1x1xf32, #tpu.memory_space<vmem>>, vector<1x1xf32>
      tpu.vector_store %arg7[%swap3A_50, %swap3A_51], %broadcast_in_dim3A_49 {strides = array<i32>} : memref<1x1xf32, #tpu.memory_space<vmem>>, vector<1x1xf32>,
    } else {
    }
    %get3A_13 = arith.constant 0 : index
    %get3A_14 = arith.constant 0 : index
    %get3A_15 = vector.load %arg6[%get3A_13, %get3A_14] : memref<1x1xf32, #tpu.memory_space<vmem>>, vector<1x1xf32>
    %reduce_max3A = vector.shape_cast %add3A : vector<5000x8xf32> to vector<1x5000x8xf32>
    %reduce_max3A_16 = arith.constant dense<0xFF800000> : vector<1xf32>
    %reduce_max3A_17 = vector.multi_reduction <maximumf>, %reduce_max3A, %reduce_max3A_16 [1, 2] : vector<1x5000x8xf32> to vector<1xf32>
    %reduce_max3A_18 = vector.shape_cast %reduce_max3A_17 : vector<1xf32> to vector<1x1x1xf32>
    %reduce_max3A_19 = vector.extract %reduce_max3A_18[0, 0, 0] : f32 from vector<1x1x1xf32>
    %broadcast_in_dim3A = vector.broadcast %reduce_max3A_19 : f32 to vector<1x1xf32>
    %max3A = arith.maximumf %get3A_15, %broadcast_in_dim3A : vector<1x1xf32>
    %get3A_20 = arith.constant 0 : index
    %get3A_21 = arith.constant 0 : index
    %get3A_22 = vector.load %arg7[%get3A_20, %get3A_21] : memref<1x1xf32, #tpu.memory_space<vmem>>, vector<1x1xf32>
    %sub3A = arith.subf %get3A_15, %max3A : vector<1x1xf32>
    %exp3A = math.exp %sub3A : vector<1x1xf32>
    %mul3A = arith.mulf %get3A_22, %exp3A : vector<1x1xf32>
    %sub3A_23 = vector.broadcast %max3A : vector<1x1xf32> to vector<5000x8xf32>
    %sub3A_24 = arith.subf %add3A, %sub3A_23 : vector<5000x8xf32>
    %exp3A_25 = math.exp %sub3A_24 : vector<5000x8xf32>
    %reduce_sum3A = vector.shape_cast %exp3A_25 : vector<5000x8xf32> to vector<1x5000x8xf32>
    %reduce_sum3A_26 = arith.constant dense<0.000000e+00> : vector<1xf32>
    %reduce_sum3A_27 = vector.multi_reduction <add>, %reduce_sum3A, %reduce_sum3A_26 [1, 2] : vector<1x5000x8xf32> to vector<1xf32>
    %reduce_sum3A_28 = vector.shape_cast %reduce_sum3A_27 : vector<1xf32> to vector<1x1x1xf32>
    %reduce_sum3A_29 = vector.extract %reduce_sum3A_28[0, 0, 0] : f32 from vector<1x1x1xf32>
    %broadcast_in_dim3A_30 = vector.broadcast %reduce_sum3A_29 : f32 to vector<1x1xf32>
    %add3A_31 = arith.addf %mul3A, %broadcast_in_dim3A_30 : vector<1x1xf32>
    %swap3A_32 = arith.constant 0 : index
    %swap3A_33 = arith.constant 0 : index
    %swap3A_34 = vector.load %arg7[%swap3A_32, %swap3A_33] : memref<1x1xf32, #tpu.memory_space<vmem>>, vector<1x1xf32>
    tpu.vector_store %arg7[%swap3A_32, %swap3A_33], %add3A_31 {strides = array<i32>} : memref<1x1xf32, #tpu.memory_space<vmem>>, vector<1x1xf32>,
    %swap3A_35 = arith.constant 0 : index
    %swap3A_36 = arith.constant 0 : index
    %swap3A_37 = vector.load %arg6[%swap3A_35, %swap3A_36] : memref<1x1xf32, #tpu.memory_space<vmem>>, vector<1x1xf32>
    tpu.vector_store %arg6[%swap3A_35, %swap3A_36], %max3A {strides = array<i32>} : memref<1x1xf32, #tpu.memory_space<vmem>>, vector<1x1xf32>,
    %eq3A_38 = arith.constant 24 : i32
    %eq3A_39 = arith.cmpi eq, %arg0, %eq3A_38 : i32
    %convert_element_type3A_40 = arith.extui %eq3A_39 : i1 to i32
    %cond3A_41 = arith.constant 0 : i32
    %cond3A_42 = arith.cmpi ne, %convert_element_type3A_40, %cond3A_41 : i32
    scf.if %cond3A_42 {
      %log3A = math.log %add3A_31 : vector<1x1xf32>
      %add3A_43 = arith.addf %max3A, %log3A : vector<1x1xf32>
      %swap3A_44 = arith.constant 0 : index
      %swap3A_45 = arith.constant 0 : index
      %swap3A_46 = vector.load %arg5[%swap3A_44, %swap3A_45] : memref<1x1xf32, #tpu.memory_space<vmem>>, vector<1x1xf32>
      tpu.vector_store %arg5[%swap3A_44, %swap3A_45], %add3A_43 {strides = array<i32>} : memref<1x1xf32, #tpu.memory_space<vmem>>, vector<1x1xf32>,
    } else {
    }
    return
  }
  func.func @transform_0(%arg0: i32) -> (i32, i32) {
    %c0_i32 = arith.constant 0 : i32
    %c0_i32_0 = arith.constant 0 : i32
    return %arg0, %c0_i32 : i32, i32
  }
  func.func @transform_1(%arg0: i32) -> (i32, i32) {
    %c0_i32 = arith.constant 0 : i32
    %c0_i32_0 = arith.constant 0 : i32
    %c0_i32_1 = arith.constant 0 : i32
    return %c0_i32, %c0_i32_0 : i32, i32
  }
  func.func @transform_2(%arg0: i32) -> (i32, i32) {
    %c0_i32 = arith.constant 0 : i32
    %c0_i32_0 = arith.constant 0 : i32
    return %arg0, %c0_i32 : i32, i32
  }
  func.func @transform_3(%arg0: i32) -> (i32, i32) {
    %c0_i32 = arith.constant 0 : i32
    %c0_i32_0 = arith.constant 0 : i32
    return %arg0, %c0_i32 : i32, i32
  }
  func.func @transform_4(%arg0: i32) -> (i32, i32) {
    %c0_i32 = arith.constant 0 : i32
    %c0_i32_0 = arith.constant 0 : i32
    %c0_i32_1 = arith.constant 0 : i32
    return %c0_i32, %c0_i32_0 : i32, i32
  }
}

module attributes {stable_mosaic.version = 14 : i64} {
  func.func @_sub_body(%arg0: i32, %arg1: memref<5000x8xf32, #tpu.memory_space<vmem>>, %arg2: memref<1x1xf32, #tpu.memory_space<vmem>>, %arg3: memref<5000x8xf32, #tpu.memory_space<vmem>>) attributes {dimension_semantics = [#tpu.dimension_semantics<arbitrary>], iteration_bounds = array<i64: 25>, scalar_prefetch = 0 : i64, scratch_operands = 0 : i64, tpu.core_type = #tpu.core_type<tc>, window_params = [{transform_indices = @transform_0, window_bounds = array<i64: 5000, 8>}, {pipeline_mode = #tpu.pipeline_mode<synchronous>, transform_indices = @transform_1, window_bounds = array<i64: 1, 1>}, {transform_indices = @transform_2, window_bounds = array<i64: 5000, 8>}]} {
    %get3A = arith.constant 0 : index
    %get3A_0 = arith.constant 0 : index
    %get3A_1 = vector.load %arg1[%get3A, %get3A_0] : memref<5000x8xf32, #tpu.memory_space<vmem>>, vector<5000x8xf32>
    %get3A_2 = arith.constant 0 : index
    %get3A_3 = arith.constant 0 : index
    %get3A_4 = vector.load %arg2[%get3A_2, %get3A_3] : memref<1x1xf32, #tpu.memory_space<vmem>>, vector<1x1xf32>
    %sub3A = vector.broadcast %get3A_4 : vector<1x1xf32> to vector<5000x8xf32>
    %sub3A_5 = arith.subf %get3A_1, %sub3A : vector<5000x8xf32>
    %swap3A = arith.constant 0 : index
    %swap3A_6 = arith.constant 0 : index
    %swap3A_7 = vector.load %arg3[%swap3A, %swap3A_6] : memref<5000x8xf32, #tpu.memory_space<vmem>>, vector<5000x8xf32>
    tpu.vector_store %arg3[%swap3A, %swap3A_6], %sub3A_5 {strides = array<i32>} : memref<5000x8xf32, #tpu.memory_space<vmem>>, vector<5000x8xf32>,
    return
  }
  func.func @transform_0(%arg0: i32) -> (i32, i32) {
    %c0_i32 = arith.constant 0 : i32
    %c0_i32_0 = arith.constant 0 : i32
    return %arg0, %c0_i32 : i32, i32
  }
  func.func @transform_1(%arg0: i32) -> (i32, i32) {
    %c0_i32 = arith.constant 0 : i32
    %c0_i32_0 = arith.constant 0 : i32
    %c0_i32_1 = arith.constant 0 : i32
    return %c0_i32, %c0_i32_0 : i32, i32
  }
  func.func @transform_2(%arg0: i32) -> (i32, i32) {
    %c0_i32 = arith.constant 0 : i32
    %c0_i32_0 = arith.constant 0 : i32
    return %arg0, %c0_i32 : i32, i32
  }
}

</mosaic_0001>

<sc_bundles>
// kernel: kernel.5.cloned.1.call-start
scs
__scs_entry_jumppad:
0x0: {  	(pc) =	sbr.rel $0x88, $3  }
0x1: {  	(tag) =	ssettag $0x0;
	lr =	simm.s32 $0x1  }
0x2: {  	[smem:$0x3F9D] =	sst lr;
	_ =	strace $0xD0000000  }
0x3: {  	_ = 	snop  }
0x4: {  	_ = 	snop  }
0x5: {  	_ = 	snop  }
0x6: {  	_ = 	snop  }
0x7: {  	_ = 	snop  }
__scs_overlays_trampoline_lowered:
0x8: {  	[smem:$0x3FAC] =	sst s0  }
0x9: {  	[smem:$0x3FAD] =	sst s1  }
0xa: {  	[smem:$0x3FAE] =	sst s2  }
0xb: {  	[smem:$0x3FAF] =	sst s3  }
0xc: {  	[smem:$0x3FB0] =	sst s4  }
0xd: {  	[smem:$0x3FB1] =	sst s5  }
0xe: {  	[smem:$0x3FB2] =	sst s6  }
0xf: {  	[smem:$0x3FB3] =	sst s7  }
0x10: {  	[smem:$0x3FB4] =	sst s8  }
0x11: {  	[smem:$0x3FB5] =	sst s9;
	s0 =	simm.s32 @!p0 $0x0  }
0x12: {  	s1 =	sld [smem:$0x3F9B];
	s0 =	simm.s32 @p0 $0x1  }
0x13: {  	[smem:$0x3FB6] =	sst s0;
	s0 =	simm.s32 @!p1 $0x0  }
0x14: {  	s2 =	sld [smem:$0x3F9A];
	s0 =	simm.s32 @p1 $0x1  }
0x15: {  	[smem:$0x3FB7] =	sst s0;
	s0 =	simm.s32 @!p2 $0x0  }
0x16: {  	s3 =	sld [smem:$0x3FDB];
	s0 =	simm.s32 @p2 $0x1  }
0x17: {  	s4 =	simm.s32 $0x1BF5;
	[smem:$0x3FB9] =	sst s0  }
0x18: {  	s0 =	sld [smem:$0x3F9C];
	_ =	swait.ge [sflag:s4], $0x0  }
0x19: {  	s7 =	sld [smem:$0x3F9D]  }
0x1a: {  	s8 =	sadd.s32 $0xFFFFE003, lr  }
0x1b: {  	s9 =	sadd.s32 $0xFFFFFEF7, lr;
	s5 =	simm.s32 $0xFFFFFFFF;
	p2 =	slt.u32 s8, $0xFFFFF086  }
0x1c: {  	p1 =	slt.u32 s9, $0xF7A;
	s5 =	simm.s32 @!p2 $0x0  }
0x1d: {  	s5 =	simm.s32 @p1 $0x1;
	p0 =	seq.s32 s7, s2  }
0x1e: {  	s7 =	smul.u32 @!p0 $0xF7A, s2;
	p2 =	seq.s32 @!p0 s5, $0x0  }
0x1f: {  	s9 =	smul.u32 $0xF7A, s1;
	s8 =	simm.s32 @!p0 $0x1BF5;
	p2 =	por !p2, p0  }
0x20: {  	[sflag:s8] =	ssyncset.s32 @!p0 $0xFFFFF086;
	s6 =	sadd.s32 @!p0 s3, s7;
	s7 =	simm.s32 @!p0 $0x108  }
0x21: {  	s3 =	sadd.s32 s3, s9;
	s6 =	sadd.s32 @!p0 $0x88, s6;
	s7 =	simm.s32 @p2 $0x1082  }
0x22: {  	[simem:s7], [sflag:s8] =	dma.local @!p0 [hbm:s6], $0xF7A  }
0x23: {  	s9 =	sor.u32 $0xD0000000, s2;
	s6 =	simm.s32 $0x108;
	_ =	swait.ge @!p0 [sflag:s8], $0x0  }
0x24: {  	s3 =	sadd.s32 $0x88, s3;
	s6 =	simm.s32 @!p1 $0x1082;
	[sflag:s4] =	ssyncset.s32 $0xFFFFF086  }
0x25: {  	[simem:s6], [sflag:s4] =	dma.local [hbm:s3], $0xF7A  }
0x26: {  	[smem:$0x3F9D] =	sst s1;
	(tag) =	ssettag s2;
	_ =	strace s9  }
0x27: {  	s1 =	sld [smem:$0x3FAD]  }
0x28: {  	s2 =	sld [smem:$0x3FAE]  }
0x29: {  	s4 =	sld [smem:$0x3FB0]  }
0x2a: {  	p0 =	seq.s32 s5, $0x0;
	s5 =	sld [smem:$0x3FB1]  }
0x2b: {  	s6 =	sld [smem:$0x3FB2]  }
0x2c: {  	s7 =	sld [smem:$0x3FB3]  }
0x2d: {  	s3 =	simm.s32 $0x108;
	s8 =	sld [smem:$0x3FB4]  }
0x2e: {  	s3 =	simm.s32 @!p0 $0x1082;
	s9 =	sld [smem:$0x3FB5]  }
0x2f: {  	lr =	sadd.s32 s0, s3;
	s0 =	sld [smem:$0x3FAC]  }
0x30: {  	s3 =	sld [smem:$0x3FAF]  }
0x31: {  	[smem:$0x3FB8] =	sst s10  }
0x32: {  	s10 =	sld [smem:$0x3FB6];
	_ =	sdelay $0x3  }
0x33: {  	p0 =	seq.s32 s10, $0x1;
	s10 =	sld [smem:$0x3FB8];
	_ =	sdelay $0x3  }
0x34: {  	[smem:$0x3FB8] =	sst s10  }
0x35: {  	s10 =	sld [smem:$0x3FB7];
	_ =	sdelay $0x3  }
0x36: {  	p1 =	seq.s32 s10, $0x1;
	s10 =	sld [smem:$0x3FB8];
	_ =	sdelay $0x3  }
0x37: {  	[smem:$0x3FB8] =	sst s10  }
0x38: {  	s10 =	sld [smem:$0x3FB9]  }
0x39: {  	_ = 	snop;
	(pc) =	sbr.ind lr, $3  }
0x3a: {  	_ = 	snop  }
0x3b: {  	_ = 	snop  }
0x3c: {  	p2 =	seq.s32 s10, $0x1;
	s10 =	sld [smem:$0x3FB8]  }
0x3d: {  	_ =	shalt  }
0x3e: {  	_ =	shalt  }
0x3f: {  	_ =	shalt  }
0x40: {  	_ =	shalt  }
0x41: {  	_ =	shalt  }
0x42: {  	_ =	shalt  }
0x43: {  	_ =	shalt  }
0x44: {  	_ =	shalt  }
0x45: {  	_ =	shalt  }
0x46: {  	_ =	shalt  }
0x47: {  	_ =	shalt  }
0x48: {  	_ =	shalt  }
0x49: {  	_ =	shalt  }
0x4a: {  	_ =	shalt  }
0x4b: {  	_ =	shalt  }
0x4c: {  	_ =	shalt  }
0x4d: {  	_ =	shalt  }
0x4e: {  	_ =	shalt  }
0x4f: {  	_ =	shalt  }
0x50: {  	_ =	shalt  }
0x51: {  	_ =	shalt  }
0x52: {  	_ =	shalt  }
0x53: {  	_ =	shalt  }
0x54: {  	_ =	shalt  }
0x55: {  	_ =	shalt  }
0x56: {  	_ =	shalt  }
0x57: {  	_ =	shalt  }
0x58: {  	_ =	shalt  }
0x59: {  	_ =	shalt  }
0x5a: {  	_ =	shalt  }
0x5b: {  	_ =	shalt  }
0x5c: {  	_ =	shalt  }
0x5d: {  	_ =	shalt  }
0x5e: {  	_ =	shalt  }
0x5f: {  	_ =	shalt  }
0x60: {  	_ =	shalt  }
0x61: {  	_ =	shalt  }
0x62: {  	_ =	shalt  }
0x63: {  	_ =	shalt  }
0x64: {  	_ =	shalt  }
0x65: {  	_ =	shalt  }
0x66: {  	_ =	shalt  }
0x67: {  	_ =	shalt  }
0x68: {  	_ =	shalt  }
0x69: {  	_ =	shalt  }
0x6a: {  	_ =	shalt  }
0x6b: {  	_ =	shalt  }
0x6c: {  	_ =	shalt  }
0x6d: {  	_ =	shalt  }
0x6e: {  	_ =	shalt  }
0x6f: {  	_ =	shalt  }
0x70: {  	_ =	shalt  }
0x71: {  	_ =	shalt  }
0x72: {  	_ =	shalt  }
0x73: {  	_ =	shalt  }
0x74: {  	_ =	shalt  }
0x75: {  	_ =	shalt  }
0x76: {  	_ =	shalt  }
0x77: {  	_ =	shalt  }
0x78: {  	_ =	shalt  }
0x79: {  	_ =	shalt  }
0x7a: {  	_ =	shalt  }
0x7b: {  	_ =	shalt  }
0x7c: {  	_ =	shalt  }
0x7d: {  	_ =	shalt  }
0x7e: {  	_ =	shalt  }
0x7f: {  	_ =	shalt  }
0x80: {  	_ =	shalt  }
0x81: {  	_ =	shalt  }
0x82: {  	_ =	shalt  }
0x83: {  	_ =	shalt  }
0x84: {  	_ =	shalt  }
0x85: {  	_ =	shalt  }
0x86: {  	_ =	shalt  }
0x87: {  	_ =	shalt  }
.Lfunc_end0:
.L_simem_size_0:
called_computation_lowered:
.L_overlay_start_0:
0x88: {  	s2 =	sld [smem:$0x3FD9]  }
0x89: {  	s3 =	sld [smem:$0x3FFE];
	_ =	sdelay $0x1  }
0x8a: {  	s1 =	srdreg.scid  }
0x8b: {  	s0 =	sand.u32 $0x1, s1  }
0x8c: {  	s17 =	sshll.u32 s0, $0xA;
	s2 =	sadd.s32 s3, s2  }
0x8d: {  	s2 =	sadd.s32 s2, s17  }
0x8e: {  	[smem:$0x3FC4] =	sst s2  }
0x8f: {  	_ = 	snop  }
0x90: {  	s2 =	sld [smem:$0x3FC9]  }
0x91: {  	s18 =	sld [smem:$0x3FD0];
	(tm) =	ssettm $0x1  }
0x92: {  	s4 =	sld [smem:$0x3FFB];
	_ =	sdelay $0x3  }
0x93: {  	_ =	strace s4  }
0x94: {  	s4 =	sld [smem:$0x3FFC];
	_ =	sdelay $0x3  }
0x95: {  	_ =	strace s4  }
0x96: {  	s4 =	sld [smem:$0x3FFD];
	_ =	sdelay $0x3  }
0x97: {  	_ =	strace s4  }
0x98: {  	_ =	strace $0x8FFFFFFF  }
0x99: {  	s19 =	sld [smem:$0x3FDB];
	_ =	sdelay $0x1  }
0x9a: {  	s5 =	simm.s32 $_scs_section_size  }
0x9b: {  	s6 =	simm.s32 $_size__tile_overlayer_lowered;
	s7 =	simm.s32 $_tile_overlayer_lowered  }
0x9c: {  	s22 =	simm.s32 $0x1BFF;
	s21 =	sshll.u32 s7, $0x1;
	s4 =	sadd.s32 s5, s19  }
0x9d: {  	s8 =	simm.s32 $0x0;
	s20 =	sshll.u32 s6, $0x1;
	s6 =	sadd.s32 s21, s4  }
0x9e: {  	[timem:s8], [sflag:s22] =	dma.local [hbm:s6], s20  }
0x9f: {  	_ =	swait.ge [sflag:s22], s20  }
0xa0: {  	s5 =	ssub.s32 $0x0, s20;
	[sflag:s22] =	ssyncset.done $0x0  }
0xa1: {  	[sflag:s22] =	ssyncadd.s32 s5;
	_ =	sdelay $0x1  }
0xa2: {  	s23 =	simm.s32 $0x1B8B  }
0xa3: {  	_ =	swait.ge [sflag:s23], $0x1  }
0xa4: {  	[sflag:s23] =	ssyncset.done $0x0  }
0xa5: {  	s25 =	simm.s32 $0x1B8E;
	s24 =	sld [smem:$0x3FFE];
	[sflag:s23] =	ssyncadd.s32 $0xFFFFFFFF  }
0xa6: {  	s26 =	simm.s32 $execute0_lowered;
	[smem:$0x3FD2] =	sst s25  }
0xa7: {  	s6 =	sshll.u32 s26, $0x1;
	_ =	strace $0x80000046;
	[dreg:$0x1] =	wrdreg $0xFFFFFFFF  }
0xa8: {  	s28 =	simm.s32 $_size_execute0_lowered;
	s4 =	sadd.s32 s4, s6;
	[dreg:$0x0] =	wrdreg $0x0  }
0xa9: {  	s6 =	sshll.u32 s28, $0x1;
	[dreg:$0x2] =	wrdreg s4  }
0xaa: {  	[dreg:$0x3] =	wrdreg s6  }
0xab: {  	[dreg:$0x4] =	wrdreg $0xC0  }
0xac: {  	_ =	task [dreg:s8], $0x5FFFF  }
0xad: {  	[dreg:$0x1] =	wrdreg $0xFFFFFFFF  }
0xae: {  	[dreg:$0x0] =	wrdreg $0x60  }
0xaf: {  	[dreg:$0x2] =	wrdreg s2  }
0xb0: {  	[dreg:$0x3] =	wrdreg s24  }
0xb1: {  	[dreg:$0x4] =	wrdreg s18  }
0xb2: {  	[dreg:$0x5] =	wrdreg $0x9  }
0xb3: {  	_ =	task.clear_ibuf [dreg:s8], $0x6FFFF;
	_ =	strace $0x90000046  }
0xb4: {  	s29 =	simm.s32 $0x9;
	_ =	strace $0x80000048  }
0xb5: {  	_ =	swait.ge [sflag:s29], $0x1  }
0xb6: {  	[sflag:s29] =	ssyncadd.s32 $0xFFFFFFFF  }
0xb7: {  	_ =	strace $0x90000048  }
0xb8: {  	_ =	sfence  }
0xb9: {  	s30 =	sld [smem:$0x0];
	_ =	sdelay $0x2  }
0xba: {  	s31 =	sshll.u32 s1, $0xD;
	s1 =	sshrl.u32 s1, $0x2  }
0xbb: {  	s3 =	sand.u32 $0x4000, s31;
	s1 =	sadd.s32 s1, s30  }
0xbc: {  	s0 =	sor.u32 s3, s0;
	s1 =	sshll.u32 s1, $0x11  }
0xbd: {  	s0 =	sor.u32 s1, s0  }
0xbe: {  	s0 =	sadd.s32 $0x8F2B, s0  }
0xbf: {  	[sflag:s0] =	ssyncadd.remote.s32 $0x1  }
0xc0: {  	_ =	sfence.sel $0xFFFF  }
0xc1: {  	[dreg:$0x0] =	wrdreg $0xFFFFFFFF;
	(pc) =	sbr.abs _section_cstart, $3  }
0xc2: {  	[dreg:$0x1] =	wrdreg $0xFFFFFFFF  }
0xc3: {  	_ =	task.clear_ibuf [dreg:s8], $0x2FFFF;
	_ =	strace $0x9FFFFFFF  }
0xc4: {  	(tm) =	ssettm $0x7FFFFFFF  }
0xc5: {  	_ =	shalt  }
tec
execute0_lowered:
.L_overlay_start_1:
0x0: {  	(tag) =	ssettag $0x1  }
0x1: {  	s2 =	srdreg.scid  }
0x2: {  	s6 =	sand.u32 $0x1, s2;
	s2 =	stileid.u32  }
0x3: {  	s7 =	sshll.u32 s2, $0x1;
	s8 =	ssub.s32 $0x0, s6  }
0x4: {  	p0 =	sne.s32 s7, s8  }
.Ltmp0:
0x5: {  	s1 =	rddreg [dreg:$0x0];
	(pc) =	sbr.rel @p0 .LBB2_9-.Ltmp0, $4  }
0x6: {  	s5 =	rddreg [dreg:$0x1]  }
0x7: {  	s3 =	rddreg [dreg:$0x2];
	s4 =	simm.s32 $0x0  }
0x8: {  	[smem:$0x7FF] =	sst s4  }
0x9: {  	s0 =	rddreg [dreg:$0x3];
	_ =	strace $0x80000047  }
0xa: {  	s7 =	ssub.s32 $0x2, s6;
	s5 =	sadd.s32 $0xF42C00, s5  }
0xb: {  	s6 =	sadd.s32 $0xD, s1;
	s9 =	simm.s32 $0x68;
	s10 =	simm.s32 $0xC8  }
0xc: {  	s11 =	simm.s32 $0x60;
	s12 =	simm.s32 $0x1AC8;
	s8 =	sshrl.u32 s7, $0x1  }
0xd: {  	s13 =	simm.s32 $0x1;
	s14 =	simm.s32 $0x32C8;
	s7 =	ssub.s32 s7, s8  }
0xe: {  	v0 =	vimm.f32 $0.0e+00;
	s15 =	simm.s32 $0x0;
	s8 =	simm.s32 $0x2;
	s7 =	smax.u32 s7, $0x1  }
.LBB2_2:
0xf: {  	s16 =	simm.s32 $0x0  }
0x10: {  	[tilespmem:s16], [sflag:$0x2] =	stream.linear.gather [hbm4b:s1+s16], $0x68, $0x38;
	[tilespmem:$0x42C8] =	vst v63  }
0x11: {  	_ =	swait.ge [sflag:s8], $0x68  }
0x12: {  	[sflag:s8] =	ssyncset.done $0x0  }
0x13: {  	[sflag:s8] =	ssyncadd.s32 $0xFFFFFF98  }
0x14: {  	[tilespmem:s9], [sflag:$0x2] =	stream.linear.gather [hbm4b:s6+s16], $0x60, $0x38;
	[tilespmem:$0x42C8] =	vst v63  }
0x15: {  	_ =	swait.ge [sflag:s8], $0x60  }
0x16: {  	[sflag:s8] =	ssyncset.done $0x0  }
0x17: {  	[sflag:s8] =	ssyncadd.s32 $0xFFFFFFA0  }
0x18: {  	[tilespmem:s10], [sflag:$0x1] =	stream.indirect.gather [hbm4b:s5+s9], $0x40, s16, s9, $0xb8;
	[tilespmem:$0x42C8] =	vst v63  }
0x19: {  	_ = 	snop  }
0x1a: {  	[tilespmem:s12], [sflag:$0x1] =	stream.indirect.gather [hbm4b:s5+s11], $0x40, s9, s11, $0xb8;
	[tilespmem:$0x42C8] =	vst v63  }
0x1b: {  	_ =	swait.ge [sflag:s13], $0x1A00  }
0x1c: {  	[sflag:s13] =	ssyncset.done $0x0  }
0x1d: {  	[sflag:s13] =	ssyncadd.s32 $0xFFFFE600  }
0x1e: {  	_ =	swait.ge [sflag:s13], $0x1800  }
0x1f: {  	[sflag:s13] =	ssyncset.done $0x0  }
0x20: {  	s16 =	simm.s32 $0x0;
	[sflag:s13] =	ssyncadd.s32 $0xFFFFE800  }
0x21: {  	v2 =	vld [tilespmem:s16+$0xF8]  }
0x22: {  	v3 =	vld [tilespmem:s16+$0xC8]  }
0x23: {  	v4 =	vimm.f32 $0.0e+00;
	v1 =	vld [tilespmem:s16+$0xD8]  }
0x24: {  	s17 =	simm.s32 $0x100;
	v8 =	vimm.f32 $0.0e+00;
	v6 =	vimm.f32 $0.0e+00;
	v7 =	vimm.f32 $0.0e+00;
	v5 =	vld [tilespmem:s16+$0xE8]  }
.LBB2_3:
0x25: {  	p0 =	sne.s32 s17, $0x6700  }
.Ltmp1:
0x26: {  	s18 =	sshra.s32 s17, $0x2;
	s17 =	sadd.s32 $0x100, s17;
	v4 =	vadd.f32 v2, v4;
	(pc) =	sbr.rel @p0 .LBB2_3-.Ltmp1, $4  }
0x27: {  	v2 =	vld [tilespmem:s18+$0xF8];
	v8 =	vadd.f32 v3, v8  }
0x28: {  	v3 =	vld [tilespmem:s18+$0xC8];
	v6 =	vadd.f32 v1, v6  }
0x29: {  	v1 =	vld [tilespmem:s18+$0xD8];
	v7 =	vadd.f32 v5, v7  }
0x2a: {  	v5 =	vld [tilespmem:s18+$0xE8]  }
0x2b: {  	_ = 	snop  }
0x2c: {  	v9 =	vld [tilespmem:s16+$0x1AF8]  }
0x2d: {  	v10 =	vld [tilespmem:s16+$0x1AC8]  }
0x2e: {  	v2 =	vadd.f32 v2, v4;
	v3 =	vadd.f32 v3, v8;
	v8 =	vld [tilespmem:s16+$0x1AD8]  }
0x2f: {  	s17 =	simm.s32 $0x100;
	v4 =	vadd.f32 v1, v6;
	v6 =	vld [tilespmem:s16+$0x1AE8];
	v5 =	vadd.f32 v5, v7  }
.LBB2_5:
0x30: {  	p0 =	sne.s32 s17, $0x5F00  }
.Ltmp2:
0x31: {  	s16 =	sshra.s32 s17, $0x2;
	s17 =	sadd.s32 $0x100, s17;
	v2 =	vadd.f32 v9, v2;
	(pc) =	sbr.rel @p0 .LBB2_5-.Ltmp2, $4  }
0x32: {  	v9 =	vld [tilespmem:s16+$0x1AF8];
	v3 =	vadd.f32 v10, v3  }
0x33: {  	v10 =	vld [tilespmem:s16+$0x1AC8];
	v4 =	vadd.f32 v8, v4  }
0x34: {  	v8 =	vld [tilespmem:s16+$0x1AD8];
	v5 =	vadd.f32 v6, v5  }
0x35: {  	v6 =	vld [tilespmem:s16+$0x1AE8]  }
0x36: {  	_ =	sdelay $0x2  }
0x37: {  	v1 =	vadd.f32 v9, v2;
	v2 =	vadd.f32 v10, v3  }
0x38: {  	s16 =	simm.s32 $0x40;
	s17 =	simm.s32 $0x0;
	v3 =	vadd.f32 v8, v4;
	v4 =	vadd.f32 v6, v5  }
.LBB2_7:
0x39: {  	p0 =	sne.s32 s16, $0x3FC0;
	[tilespmem:s17+$0x32C8] =	vst v0;
	s17 =	smov.u32 s16;
	s16 =	sadd.s32 $0x40, s16  }
.Ltmp3:
0x3a: {  	(pc) =	sbr.rel @p0 .LBB2_7-.Ltmp3, $2  }
0x3b: {  	_ =	sdelay $0x2  }
0x3c: {  	s17 =	sshra.s32 s17, $0x2  }
0x3d: {  	[tilespmem:s17+$0x32C8] =	vst v0  }
0x3e: {  	[tilespmem:$0x32C8] =	vst v2  }
0x3f: {  	[tilespmem:$0x32D8] =	vst v3  }
0x40: {  	[tilespmem:$0x32E8] =	vst v4  }
0x41: {  	[tilespmem:$0x32F8] =	vst v1  }
0x42: {  	[tilespmem:$0x3508] =	vst v2  }
0x43: {  	[tilespmem:$0x3518] =	vst v3  }
0x44: {  	[tilespmem:$0x3528] =	vst v4  }
0x45: {  	[tilespmem:$0x3538] =	vst v1  }
0x46: {  	[tilespmem:$0x3748] =	vst v2  }
0x47: {  	[tilespmem:$0x3758] =	vst v3  }
0x48: {  	[tilespmem:$0x3768] =	vst v4  }
0x49: {  	[tilespmem:$0x3778] =	vst v1  }
0x4a: {  	[tilespmem:$0x3988] =	vst v2  }
0x4b: {  	[tilespmem:$0x3998] =	vst v3  }
0x4c: {  	[tilespmem:$0x39A8] =	vst v4  }
0x4d: {  	[tilespmem:$0x39B8] =	vst v1  }
0x4e: {  	[tilespmem:$0x3BC8] =	vst v2  }
0x4f: {  	[tilespmem:$0x3BD8] =	vst v3  }
0x50: {  	[tilespmem:$0x3BE8] =	vst v4  }
0x51: {  	[tilespmem:$0x3BF8] =	vst v1  }
0x52: {  	[tilespmem:$0x3E08] =	vst v2  }
0x53: {  	[tilespmem:$0x3E18] =	vst v3  }
0x54: {  	[tilespmem:$0x3E28] =	vst v4  }
0x55: {  	[tilespmem:$0x3E38] =	vst v1  }
0x56: {  	[tilespmem:$0x4048] =	vst v2  }
0x57: {  	[tilespmem:$0x4058] =	vst v3  }
0x58: {  	[tilespmem:$0x4068] =	vst v4  }
0x59: {  	[tilespmem:$0x4078] =	vst v1  }
0x5a: {  	[tilespmem:$0x4288] =	vst v2  }
0x5b: {  	s15 =	sadd.s32 $0x1, s15;
	[tilespmem:$0x4298] =	vst v3  }
0x5c: {  	[tilespmem:$0x42A8] =	vst v4;
	p0 =	sne.s32 s15, s7  }
.Ltmp4:
0x5d: {  	[tilespmem:$0x42B8] =	vst v1;
	(pc) =	sbr.rel @p0 .LBB2_2-.Ltmp4, $4  }
0x5e: {  	[hbm4b:s3+s4] =	stream.linear.scatter [tilespmem:s14], [sflag:$0x2], $0x1000, $0x38;
	[tilespmem:$0x42C8] =	vst v63  }
0x5f: {  	_ =	swait.ge [sflag:s8], $0x1000  }
0x60: {  	[sflag:s8] =	ssyncset.done $0x0  }
0x61: {  	[sflag:s8] =	ssyncadd.s32 $0xFFFFF000  }
.LBB2_9:
0x62: {  	_ =	sfence.sel $0x180000  }
0x63: {  	[bflag:$0x0] =	sbarrier.arrive $0xFFFF  }
0x64: {  	p0 =	sne.s32 s2, $0x0;
	_ =	strace $0x90000047  }
0x65: {  	s0 =	sadd.s32 @!p0 $0x100000, s0;
	[bflag:$0x2] =	sbarrier.arrive $0xFFFF  }
0x66: {  	[sflag:s0] =	ssyncadd.tile.s32 @!p0 $0x1;
	_ =	shalt  }
.Lfunc_end2:
_tile_overlayer_lowered:
.L_overlay_start_2:
0x67: {  	(tag) =	ssettag $0x2  }
0x68: {  	s0 =	rddreg [dreg:$0x0];
	s2 =	stileid.u32  }
0x69: {  	s1 =	rddreg [dreg:$0x1];
	p0 =	sne.s32 s2, $0x0  }
0x6a: {  	s3 =	rddreg [dreg:$0x2];
	[bflag:$0x3] =	sbarrier.arrive $0xFFFF;
	s2 =	simm.s32 @!p0 $0x1C02  }
0x6b: {  	[timem:s3], [sflag:s2] =	dma.local @!p0 [hbm:s0], s1  }
0x6c: {  	s0 =	simm.s32 @!p0 $0x2  }
0x6d: {  	_ =	swait.ge @!p0 [sflag:s0], s1  }
0x6e: {  	s1 =	ssub.s32 @!p0 $0x0, s1;
	[sflag:s0] =	ssyncset.done @!p0 $0x0  }
0x6f: {  	[sflag:s0] =	ssyncadd.s32 @!p0 s1  }
0x70: {  	[bflag:$0x3] =	sbarrier.arrive $0xFFFF  }
0x71: {  	_ =	shalt  }

</sc_bundles>
